<compile_context>
chip_gen: v7x
topology: tpu7x:2x2x1
jax: 0.10.2.dev20260603
libtpu: 0.0.44.dev20260713+nightly
codegen_flags: <defaults>
</compile_context>

<pallas_src>
import functools

import jax
import jax.numpy as jnp
from jax import lax
from jax.experimental import pallas as pl
from jax.experimental.pallas import tpu as pltpu
from jax.experimental.pallas import tpu_sc as plsc

NQ = 1024
ND = 16
NK = 100000
KT = 2048
KPAD = 102400
N_TILES = KPAD // KT


_NCH = KT // 128
_QB = NQ // 8


def _argmin_body(q_ref, kt_ref, idx_out, scores_s, qsq_s, val_s, chk_s):
    g = pl.program_id(0)
    q = q_ref[...]
    kt = kt_ref[...]
    q2 = q * (-2.0)

    _SUB = 8
    _SW = KT // _SUB
    _SCH = _SW // 128

    def _dot(j):
        sl = slice(j * _SW, (j + 1) * _SW)
        scores_s[:, sl] = lax.dot_general(
            q2, kt[:, sl], dimension_numbers=(((1,), (0,)), ((), ())),
            preferred_element_type=jnp.float32)

    _dot(0)
    k_sq = jnp.sum(kt * kt, axis=0)

    @pl.when(g == 0)
    def _():
        qsq_s[...] = jnp.sum(q * q, axis=1, keepdims=True)
        val_s[...] = jnp.full((NQ, 128), jnp.inf, jnp.float32)
        chk_s[...] = jnp.zeros((NQ, 128), jnp.int32)

    qsq = jnp.broadcast_to(qsq_s[...], (NQ, 128))
    av = val_s[...]
    ac = chk_s[...]

    def _reduce(j, av, ac):
        for c in range(_SCH):
            ch = j * _SCH + c
            s = scores_s[:, ch * 128:(ch + 1) * 128]
            d = (qsq + s) + k_sq[None, ch * 128:(ch + 1) * 128]
            m = d < av
            av = jnp.where(m, d, av)
            ac = jnp.where(m, g * _NCH + ch, ac)
        return av, ac

    for j in range(1, _SUB):
        _dot(j)
        av, ac = _reduce(j - 1, av, ac)
    av, ac = _reduce(_SUB - 1, av, ac)
    val_s[...] = av
    chk_s[...] = ac

    @pl.when(g == N_TILES - 1)
    def _():
        av = val_s[...]
        mn = jnp.min(av, axis=1, keepdims=True)
        col = chk_s[...] * 128 + lax.broadcasted_iota(jnp.int32, (NQ, 128), 1)
        cand = jnp.where(av == mn, col, jnp.int32(2**31 - 1))
        idx_out[...] = jnp.min(cand, axis=1)


_argmin_call = pl.pallas_call(
    _argmin_body,
    grid=(N_TILES,),
    in_specs=[
        pl.BlockSpec((NQ, ND), lambda g: (0, 0)),
        pl.BlockSpec((ND, KT), lambda g: (0, g)),
    ],
    out_specs=pl.BlockSpec((NQ,), lambda g: (0,)),
    out_shape=jax.ShapeDtypeStruct((NQ,), jnp.int32),
    scratch_shapes=[
        pltpu.VMEM((NQ, KT), jnp.float32),
        pltpu.VMEM((NQ, 1), jnp.float32),
        pltpu.VMEM((NQ, 128), jnp.float32),
        pltpu.VMEM((NQ, 128), jnp.int32),
    ],
)


_SC_CORES = 2
_SC_SUBCORES = 16
_NW = _SC_CORES * _SC_SUBCORES
_BPW = NQ // _NW
_GROUP = 128 // ND
_NROWS = NK // _GROUP


@functools.cache
def _make_gather_groups():
    @functools.partial(
        pl.kernel,
        mesh=plsc.VectorSubcoreMesh(core_axis_name="c", subcore_axis_name="s"),
        out_type=jax.ShapeDtypeStruct((NQ, 128), jnp.float32),
        scratch_types=[
            pltpu.VMEM((_BPW,), jnp.int32),
            pltpu.VMEM((_BPW,), jnp.int32),
            pltpu.VMEM((_BPW, 128), jnp.float32),
            pltpu.SemaphoreType.DMA,
        ],
    )
    def _gather_groups(table_hbm, idx_hbm, out_hbm, idx_v, idx8_v, rows_v, sem):
        wid = lax.axis_index("s") * _SC_CORES + lax.axis_index("c")
        base = wid * _BPW
        pltpu.sync_copy(idx_hbm.at[pl.ds(base, _BPW)], idx_v)
        for c in range(_BPW // 16):
            v = idx_v[pl.ds(c * 16, 16)]
            idx8_v[pl.ds(c * 16, 16)] = lax.shift_right_logical(v, 3)
        pltpu.async_copy(table_hbm.at[idx8_v], rows_v, sem).wait()
        pltpu.sync_copy(rows_v, out_hbm.at[pl.ds(base, _BPW)])

    return _gather_groups


def _extract_body(rows_ref, idx_ref, out_ref):
    rem = idx_ref[...] & (_GROUP - 1)
    acc = jnp.zeros((NQ, ND), jnp.float32)
    for j in range(_GROUP):
        acc = jnp.where(rem == j, rows_ref[:, j * ND:(j + 1) * ND], acc)
    out_ref[...] = acc


_extract_call = pl.pallas_call(
    _extract_body,
    out_shape=jax.ShapeDtypeStruct((NQ, ND), jnp.float32),
)


def kernel(queries, keys):
    keys_pad = jnp.pad(keys, ((0, KPAD - NK), (0, 0)), constant_values=1e18)
    best_idx = _argmin_call(queries, keys_pad.T)
    rows8 = _make_gather_groups()(keys.reshape(_NROWS, 128), best_idx)
    best_vecs = _extract_call(rows8, best_idx[:, None])
    return best_idx, best_vecs

# --- scband reference (transcript-rebuilt; emitter-appended) ---
"""Pipeline reference for scband-inference-model-14431090114569 (READ-ONLY COPY).

The authoritative reference and input builder live on the scoring server;
editing this copy changes nothing except your own understanding.
"""

import jax, jax.numpy as jnp
import numpy as np


def setup_inputs(seed: int = 0) -> dict:
    key = jax.random.key(seed)
    kq, kk = jax.random.split(key)
    queries = jax.random.normal(kq, (1024, 16), dtype=jnp.float32)
    keys = jax.random.normal(kk, (100000, 16), dtype=jnp.float32)
    return {"queries": queries, "keys": keys}


def reference(queries, keys):
    # Faithful to get_closest_idx: squared-L2 nearest neighbor over candidate vectors.
    # ||q - k||^2 = ||q||^2 - 2 q.k + ||k||^2 (identical math, avoids [Q,K,d] intermediate)
    q_sq = jnp.sum(queries * queries, axis=-1, keepdims=True)          # [Q, 1]
    k_sq = jnp.sum(keys * keys, axis=-1)                               # [K]
    dists = q_sq - 2.0 * (queries @ keys.T) + k_sq[None, :]           # [Q, K]
    best_idx = jnp.argmin(dists, axis=-1)                              # [Q] (argsort(...)[0])
    best_vecs = jnp.take(keys, best_idx, axis=0)                       # gather of best vectors
    return best_idx, best_vecs

if __name__ == "__main__":
    import jax
    _d = setup_inputs()
    print(jax.jit(kernel)(*tuple(_d.values())))

</pallas_src>

<mosaic_0001>
#map = affine_map<(d0, d1) -> (0, 0)>
#map1 = affine_map<(d0, d1) -> (0)>
module attributes {stable_mosaic.version = 14 : i64} {
  func.func @_gather_groups(%arg0: i32, %arg1: i32, %arg2: memref<12500x128xf32, #tpu.memory_space<hbm>>, %arg3: memref<1024xi32, #tpu.memory_space<hbm>>, %arg4: memref<1024x128xf32, #tpu.memory_space<hbm>>, %arg5: memref<32xi32, #tpu.memory_space<vmem>>, %arg6: memref<32xi32, #tpu.memory_space<vmem>>, %arg7: memref<32x128xf32, #tpu.memory_space<vmem>>, %arg8: memref<!tpu.dma_semaphore, #tpu.memory_space<semaphore_mem>>) attributes {dimension_semantics = [#tpu.dimension_semantics<core_parallel>, #tpu.dimension_semantics<subcore_parallel>], iteration_bounds = array<i64: 2, 16>, scalar_prefetch = 0 : i64, scratch_operands = 4 : i64, tpu.core_type = #tpu.core_type<sc_vector_subcore>, window_params = [{transform_indices = #map}, {transform_indices = #map1}, {transform_indices = #map}]} {
    %mul3A = arith.constant 2 : i32
    %mul3A_0 = arith.muli %arg1, %mul3A : i32
    %add3A = arith.addi %mul3A_0, %arg0 : i32
    %mul3A_1 = arith.constant 32 : i32
    %mul3A_2 = arith.muli %add3A, %mul3A_1 : i32
    "tpu.region"() ({
      %run_scoped3A = tpu.sem_alloc : memref<!tpu.dma_semaphore, #tpu.memory_space<semaphore_mem>>
      %dma_start3A_24 = tpu.memref_slice %arg3[%mul3A_2] : memref<1024xi32, #tpu.memory_space<hbm>> -> memref<32xi32, #tpu.memory_space<hbm>>
      %dma_start3A_25 = tpu.memref_slice %arg3[%mul3A_2] : memref<1024xi32, #tpu.memory_space<hbm>> -> memref<32xi32, #tpu.memory_space<hbm>>
      tpu.enqueue_dma source(%dma_start3A_25 : memref<32xi32, #tpu.memory_space<hbm>>) target(%arg5 : memref<32xi32, #tpu.memory_space<vmem>>) target_semaphore(%run_scoped3A : memref<!tpu.dma_semaphore, #tpu.memory_space<semaphore_mem>>)
      %dma_wait3A_26 = tpu.memref_slice %arg3[%mul3A_2] : memref<1024xi32, #tpu.memory_space<hbm>> -> memref<32xi32, #tpu.memory_space<hbm>>
      %dma_wait3A_27 = tpu.memref_slice %arg3[%mul3A_2] : memref<1024xi32, #tpu.memory_space<hbm>> -> memref<32xi32, #tpu.memory_space<hbm>>
      tpu.wait_dma2 semaphore(%run_scoped3A : memref<!tpu.dma_semaphore, #tpu.memory_space<semaphore_mem>>) src(%dma_wait3A_27 : memref<32xi32, #tpu.memory_space<hbm>>) dst(%arg5 : memref<32xi32, #tpu.memory_space<vmem>>)
      tpu.yield
    }) : () -> ()
    %get3A = arith.constant 0 : index
    %get3A_3 = tpu.vector_load %arg5[%get3A] {strides = array<i32>} : memref<32xi32, #tpu.memory_space<vmem>>, vector<16xi32>,
    %get3A_4 = vector.shape_cast %get3A_3 : vector<16xi32> to vector<16xi32>
    %shift_right_logical3A = arith.constant 3 : i32
    %shift_right_logical3A_5 = vector.broadcast %shift_right_logical3A : i32 to vector<16xi32>
    %shift_right_logical3A_6 = arith.shrui %get3A_4, %shift_right_logical3A_5 : vector<16xi32>
    %swap3A = arith.constant 0 : index
    %swap3A_7 = tpu.vector_load %arg6[%swap3A] {strides = array<i32>} : memref<32xi32, #tpu.memory_space<vmem>>, vector<16xi32>,
    %swap3A_8 = vector.shape_cast %swap3A_7 : vector<16xi32> to vector<16xi32>
    %swap3A_9 = vector.shape_cast %shift_right_logical3A_6 : vector<16xi32> to vector<16xi32>
    tpu.vector_store %arg6[%swap3A], %swap3A_9 {strides = array<i32>} : memref<32xi32, #tpu.memory_space<vmem>>, vector<16xi32>,
    %get3A_10 = arith.constant 16 : index
    %get3A_11 = tpu.vector_load %arg5[%get3A_10] {strides = array<i32>} : memref<32xi32, #tpu.memory_space<vmem>>, vector<16xi32>,
    %get3A_12 = vector.shape_cast %get3A_11 : vector<16xi32> to vector<16xi32>
    %shift_right_logical3A_13 = arith.constant 3 : i32
    %shift_right_logical3A_14 = vector.broadcast %shift_right_logical3A_13 : i32 to vector<16xi32>
    %shift_right_logical3A_15 = arith.shrui %get3A_12, %shift_right_logical3A_14 : vector<16xi32>
    %swap3A_16 = arith.constant 16 : index
    %swap3A_17 = tpu.vector_load %arg6[%swap3A_16] {strides = array<i32>} : memref<32xi32, #tpu.memory_space<vmem>>, vector<16xi32>,
    %swap3A_18 = vector.shape_cast %swap3A_17 : vector<16xi32> to vector<16xi32>
    %swap3A_19 = vector.shape_cast %shift_right_logical3A_15 : vector<16xi32> to vector<16xi32>
    tpu.vector_store %arg6[%swap3A_16], %swap3A_19 {strides = array<i32>} : memref<32xi32, #tpu.memory_space<vmem>>, vector<16xi32>,
    %dma_start3A = arith.constant 0 : i32
    %dma_start3A_20 = arith.constant 0 : i32
    %dma_start3A_21 = tpu.memref_slice %arg2[%dma_start3A, %dma_start3A_20] : memref<12500x128xf32, #tpu.memory_space<hbm>> -> memref<12500x128xf32, #tpu.memory_space<hbm>>
    tpu.enqueue_indirect_dma source(%dma_start3A_21 : memref<12500x128xf32, #tpu.memory_space<hbm>>) target(%arg7 : memref<32x128xf32, #tpu.memory_space<vmem>>) offsets(%arg6 : memref<32xi32, #tpu.memory_space<vmem>>) semaphore(%arg8 : memref<!tpu.dma_semaphore, #tpu.memory_space<semaphore_mem>>)
    %dma_wait3A = arith.constant 0 : i32
    %dma_wait3A_22 = arith.constant 0 : i32
    %dma_wait3A_23 = tpu.memref_slice %arg2[%dma_wait3A, %dma_wait3A_22] : memref<12500x128xf32, #tpu.memory_space<hbm>> -> memref<12500x128xf32, #tpu.memory_space<hbm>>
    tpu.wait_indirect_dma semaphore(%arg8 : memref<!tpu.dma_semaphore, #tpu.memory_space<semaphore_mem>>) src(%dma_wait3A_23 : memref<12500x128xf32, #tpu.memory_space<hbm>>) dst(%arg7 : memref<32x128xf32, #tpu.memory_space<vmem>>)
    "tpu.region"() ({
      %run_scoped3A = tpu.sem_alloc : memref<!tpu.dma_semaphore, #tpu.memory_space<semaphore_mem>>
      %dma_start3A_24 = arith.constant 0 : i32
      %dma_start3A_25 = tpu.memref_slice %arg4[%mul3A_2, %dma_start3A_24] : memref<1024x128xf32, #tpu.memory_space<hbm>> -> memref<32x128xf32, #tpu.memory_space<hbm>>
      %dma_start3A_26 = arith.constant 0 : i32
      %dma_start3A_27 = tpu.memref_slice %arg4[%mul3A_2, %dma_start3A_26] : memref<1024x128xf32, #tpu.memory_space<hbm>> -> memref<32x128xf32, #tpu.memory_space<hbm>>
      tpu.enqueue_dma source(%arg7 : memref<32x128xf32, #tpu.memory_space<vmem>>) target(%dma_start3A_27 : memref<32x128xf32, #tpu.memory_space<hbm>>) target_semaphore(%run_scoped3A : memref<!tpu.dma_semaphore, #tpu.memory_space<semaphore_mem>>)
      %dma_wait3A_28 = arith.constant 0 : i32
      %dma_wait3A_29 = tpu.memref_slice %arg4[%mul3A_2, %dma_wait3A_28] : memref<1024x128xf32, #tpu.memory_space<hbm>> -> memref<32x128xf32, #tpu.memory_space<hbm>>
      %dma_wait3A_30 = arith.constant 0 : i32
      %dma_wait3A_31 = tpu.memref_slice %arg4[%mul3A_2, %dma_wait3A_30] : memref<1024x128xf32, #tpu.memory_space<hbm>> -> memref<32x128xf32, #tpu.memory_space<hbm>>
      tpu.wait_dma2 semaphore(%run_scoped3A : memref<!tpu.dma_semaphore, #tpu.memory_space<semaphore_mem>>) src(%arg7 : memref<32x128xf32, #tpu.memory_space<vmem>>) dst(%dma_wait3A_31 : memref<32x128xf32, #tpu.memory_space<hbm>>)
      tpu.yield
    }) : () -> ()
    return
  }
}

module attributes {stable_mosaic.version = 14 : i64} {
  func.func @_argmin_body(%arg0: i32, %arg1: memref<1024x16xf32, #tpu.memory_space<vmem>>, %arg2: memref<16x2048xf32, #tpu.memory_space<vmem>>, %arg3: memref<1024xi32, #tpu.memory_space<vmem>>, %arg4: memref<1024x2048xf32, #tpu.memory_space<vmem>>, %arg5: memref<1024x1xf32, #tpu.memory_space<vmem>>, %arg6: memref<1024x128xf32, #tpu.memory_space<vmem>>, %arg7: memref<1024x128xi32, #tpu.memory_space<vmem>>) attributes {dimension_semantics = [#tpu.dimension_semantics<arbitrary>], iteration_bounds = array<i64: 50>, scalar_prefetch = 0 : i64, scratch_operands = 4 : i64, tpu.core_type = #tpu.core_type<tc>, window_params = [{pipeline_mode = #tpu.pipeline_mode<synchronous>, transform_indices = @transform_0, window_bounds = array<i64: 1024, 16>}, {transform_indices = @transform_1, window_bounds = array<i64: 16, 2048>}, {pipeline_mode = #tpu.pipeline_mode<synchronous>, transform_indices = @transform_2, window_bounds = array<i64: 1024>}]} {
    %get3A = arith.constant 0 : index
    %get3A_0 = arith.constant 0 : index
    %get3A_1 = vector.load %arg1[%get3A, %get3A_0] : memref<1024x16xf32, #tpu.memory_space<vmem>>, vector<1024x16xf32>
    %get3A_2 = arith.constant 0 : index
    %get3A_3 = arith.constant 0 : index
    %get3A_4 = vector.load %arg2[%get3A_2, %get3A_3] : memref<16x2048xf32, #tpu.memory_space<vmem>>, vector<16x2048xf32>
    %mul3A = arith.constant -2.000000e+00 : f32
    %mul3A_5 = vector.broadcast %mul3A : f32 to vector<1024x16xf32>
    %mul3A_6 = arith.mulf %get3A_1, %mul3A_5 : vector<1024x16xf32>
    %slice3A = vector.extract_strided_slice %get3A_4 {offsets = [0, 0], sizes = [16, 256], strides = [1, 1]} : vector<16x2048xf32> to vector<16x256xf32>
    %dot_general3A = arith.constant dense<0.000000e+00> : vector<1024x256xf32>
    %dot_general3A_7 = tpu.matmul %mul3A_6, %slice3A, %dot_general3A {dimension_numbers = #tpu.dot_dimension_numbers<[1], [0], [0], [1], [0, 0, 1, 1], [], []>, transpose_lhs_hint = false} : vector<1024x16xf32>, vector<16x256xf32>, vector<1024x256xf32> -> vector<1024x256xf32>
    %swap3A = arith.constant 0 : index
    %swap3A_8 = arith.constant 0 : index
    %swap3A_9 = vector.load %arg4[%swap3A, %swap3A_8] : memref<1024x2048xf32, #tpu.memory_space<vmem>>, vector<1024x256xf32>
    tpu.vector_store %arg4[%swap3A, %swap3A_8], %dot_general3A_7 {strides = array<i32>} : memref<1024x2048xf32, #tpu.memory_space<vmem>>, vector<1024x256xf32>,
    %mul3A_10 = arith.mulf %get3A_4, %get3A_4 : vector<16x2048xf32>
    %reduce_sum3A = arith.constant dense<0.000000e+00> : vector<2048xf32>
    %reduce_sum3A_11 = vector.multi_reduction <add>, %mul3A_10, %reduce_sum3A [0] : vector<16x2048xf32> to vector<2048xf32>
    %eq3A = arith.constant 0 : i32
    %eq3A_12 = arith.cmpi eq, %arg0, %eq3A : i32
    %convert_element_type3A = arith.extui %eq3A_12 : i1 to i32
    %cond3A = arith.constant 0 : i32
    %cond3A_13 = arith.cmpi ne, %convert_element_type3A, %cond3A : i32
    scf.if %cond3A_13 {
      %mul3A_330 = arith.mulf %get3A_1, %get3A_1 : vector<1024x16xf32>
      %reduce_sum3A_331 = arith.constant dense<0.000000e+00> : vector<1024xf32>
      %reduce_sum3A_332 = vector.multi_reduction <add>, %mul3A_330, %reduce_sum3A_331 [1] : vector<1024x16xf32> to vector<1024xf32>
      %broadcast_in_dim3A_333 = vector.shape_cast %reduce_sum3A_332 : vector<1024xf32> to vector<1024x1xf32>
      %swap3A_334 = arith.constant 0 : index
      %swap3A_335 = arith.constant 0 : index
      %swap3A_336 = vector.load %arg5[%swap3A_334, %swap3A_335] : memref<1024x1xf32, #tpu.memory_space<vmem>>, vector<1024x1xf32>
      tpu.vector_store %arg5[%swap3A_334, %swap3A_335], %broadcast_in_dim3A_333 {strides = array<i32>} : memref<1024x1xf32, #tpu.memory_space<vmem>>, vector<1024x1xf32>,
      %broadcast_in_dim3A_337 = arith.constant 0x7F800000 : f32
      %broadcast_in_dim3A_338 = vector.broadcast %broadcast_in_dim3A_337 : f32 to vector<1024x128xf32>
      %swap3A_339 = arith.constant 0 : index
      %swap3A_340 = arith.constant 0 : index
      %swap3A_341 = vector.load %arg6[%swap3A_339, %swap3A_340] : memref<1024x128xf32, #tpu.memory_space<vmem>>, vector<1024x128xf32>
      tpu.vector_store %arg6[%swap3A_339, %swap3A_340], %broadcast_in_dim3A_338 {strides = array<i32>} : memref<1024x128xf32, #tpu.memory_space<vmem>>, vector<1024x128xf32>,
      %broadcast_in_dim3A_342 = arith.constant 0 : i32
      %broadcast_in_dim3A_343 = vector.broadcast %broadcast_in_dim3A_342 : i32 to vector<1024x128xi32>
      %swap3A_344 = arith.constant 0 : index
      %swap3A_345 = arith.constant 0 : index
      %swap3A_346 = vector.load %arg7[%swap3A_344, %swap3A_345] : memref<1024x128xi32, #tpu.memory_space<vmem>>, vector<1024x128xi32>
      tpu.vector_store %arg7[%swap3A_344, %swap3A_345], %broadcast_in_dim3A_343 {strides = array<i32>} : memref<1024x128xi32, #tpu.memory_space<vmem>>, vector<1024x128xi32>,
    } else {
    }
    %get3A_14 = arith.constant 0 : index
    %get3A_15 = arith.constant 0 : index
    %get3A_16 = vector.load %arg5[%get3A_14, %get3A_15] : memref<1024x1xf32, #tpu.memory_space<vmem>>, vector<1024x1xf32>
    %broadcast_in_dim3A = vector.shape_cast %get3A_16 : vector<1024x1xf32> to vector<1024x1xf32>
    %broadcast_in_dim3A_17 = vector.broadcast %broadcast_in_dim3A : vector<1024x1xf32> to vector<1024x128xf32>
    %get3A_18 = arith.constant 0 : index
    %get3A_19 = arith.constant 0 : index
    %get3A_20 = vector.load %arg6[%get3A_18, %get3A_19] : memref<1024x128xf32, #tpu.memory_space<vmem>>, vector<1024x128xf32>
    %get3A_21 = arith.constant 0 : index
    %get3A_22 = arith.constant 0 : index
    %get3A_23 = vector.load %arg7[%get3A_21, %get3A_22] : memref<1024x128xi32, #tpu.memory_space<vmem>>, vector<1024x128xi32>
    %slice3A_24 = vector.extract_strided_slice %get3A_4 {offsets = [0, 256], sizes = [16, 256], strides = [1, 1]} : vector<16x2048xf32> to vector<16x256xf32>
    %dot_general3A_25 = arith.constant dense<0.000000e+00> : vector<1024x256xf32>
    %dot_general3A_26 = tpu.matmul %mul3A_6, %slice3A_24, %dot_general3A_25 {dimension_numbers = #tpu.dot_dimension_numbers<[1], [0], [0], [1], [0, 0, 1, 1], [], []>, transpose_lhs_hint = false} : vector<1024x16xf32>, vector<16x256xf32>, vector<1024x256xf32> -> vector<1024x256xf32>
    %swap3A_27 = arith.constant 0 : index
    %swap3A_28 = arith.constant 256 : index
    %swap3A_29 = vector.load %arg4[%swap3A_27, %swap3A_28] : memref<1024x2048xf32, #tpu.memory_space<vmem>>, vector<1024x256xf32>
    tpu.vector_store %arg4[%swap3A_27, %swap3A_28], %dot_general3A_26 {strides = array<i32>} : memref<1024x2048xf32, #tpu.memory_space<vmem>>, vector<1024x256xf32>,
    %get3A_30 = arith.constant 0 : index
    %get3A_31 = arith.constant 0 : index
    %get3A_32 = vector.load %arg4[%get3A_30, %get3A_31] : memref<1024x2048xf32, #tpu.memory_space<vmem>>, vector<1024x128xf32>
    %add3A = arith.addf %broadcast_in_dim3A_17, %get3A_32 : vector<1024x128xf32>
    %slice3A_33 = vector.extract_strided_slice %reduce_sum3A_11 {offsets = [0], sizes = [128], strides = [1]} : vector<2048xf32> to vector<128xf32>
    %broadcast_in_dim3A_34 = vector.shape_cast %slice3A_33 : vector<128xf32> to vector<1x128xf32>
    %add3A_35 = vector.broadcast %broadcast_in_dim3A_34 : vector<1x128xf32> to vector<1024x128xf32>
    %add3A_36 = arith.addf %add3A, %add3A_35 : vector<1024x128xf32>
    %lt3A = arith.cmpf olt, %add3A_36, %get3A_20 : vector<1024x128xf32>
    %select_n3A = arith.select %lt3A, %add3A_36, %get3A_20 : vector<1024x128xi1>, vector<1024x128xf32>
    %mul3A_37 = arith.constant 16 : i32
    %mul3A_38 = arith.muli %arg0, %mul3A_37 : i32
    %add3A_39 = arith.constant 0 : i32
    %add3A_40 = arith.addi %mul3A_38, %add3A_39 : i32
    %broadcast_in_dim3A_41 = vector.broadcast %add3A_40 : i32 to vector<1024x128xi32>
    %select_n3A_42 = arith.select %lt3A, %broadcast_in_dim3A_41, %get3A_23 : vector<1024x128xi1>, vector<1024x128xi32>
    %get3A_43 = arith.constant 0 : index
    %get3A_44 = arith.constant 128 : index
    %get3A_45 = vector.load %arg4[%get3A_43, %get3A_44] : memref<1024x2048xf32, #tpu.memory_space<vmem>>, vector<1024x128xf32>
    %add3A_46 = arith.addf %broadcast_in_dim3A_17, %get3A_45 : vector<1024x128xf32>
    %slice3A_47 = vector.extract_strided_slice %reduce_sum3A_11 {offsets = [128], sizes = [128], strides = [1]} : vector<2048xf32> to vector<128xf32>
    %broadcast_in_dim3A_48 = vector.shape_cast %slice3A_47 : vector<128xf32> to vector<1x128xf32>
    %add3A_49 = vector.broadcast %broadcast_in_dim3A_48 : vector<1x128xf32> to vector<1024x128xf32>
    %add3A_50 = arith.addf %add3A_46, %add3A_49 : vector<1024x128xf32>
    %lt3A_51 = arith.cmpf olt, %add3A_50, %select_n3A : vector<1024x128xf32>
    %select_n3A_52 = arith.select %lt3A_51, %add3A_50, %select_n3A : vector<1024x128xi1>, vector<1024x128xf32>
    %mul3A_53 = arith.constant 16 : i32
    %mul3A_54 = arith.muli %arg0, %mul3A_53 : i32
    %add3A_55 = arith.constant 1 : i32
    %add3A_56 = arith.addi %mul3A_54, %add3A_55 : i32
    %broadcast_in_dim3A_57 = vector.broadcast %add3A_56 : i32 to vector<1024x128xi32>
    %select_n3A_58 = arith.select %lt3A_51, %broadcast_in_dim3A_57, %select_n3A_42 : vector<1024x128xi1>, vector<1024x128xi32>
    %slice3A_59 = vector.extract_strided_slice %get3A_4 {offsets = [0, 512], sizes = [16, 256], strides = [1, 1]} : vector<16x2048xf32> to vector<16x256xf32>
    %dot_general3A_60 = arith.constant dense<0.000000e+00> : vector<1024x256xf32>
    %dot_general3A_61 = tpu.matmul %mul3A_6, %slice3A_59, %dot_general3A_60 {dimension_numbers = #tpu.dot_dimension_numbers<[1], [0], [0], [1], [0, 0, 1, 1], [], []>, transpose_lhs_hint = false} : vector<1024x16xf32>, vector<16x256xf32>, vector<1024x256xf32> -> vector<1024x256xf32>
    %swap3A_62 = arith.constant 0 : index
    %swap3A_63 = arith.constant 512 : index
    %swap3A_64 = vector.load %arg4[%swap3A_62, %swap3A_63] : memref<1024x2048xf32, #tpu.memory_space<vmem>>, vector<1024x256xf32>
    tpu.vector_store %arg4[%swap3A_62, %swap3A_63], %dot_general3A_61 {strides = array<i32>} : memref<1024x2048xf32, #tpu.memory_space<vmem>>, vector<1024x256xf32>,
    %get3A_65 = arith.constant 0 : index
    %get3A_66 = arith.constant 256 : index
    %get3A_67 = vector.load %arg4[%get3A_65, %get3A_66] : memref<1024x2048xf32, #tpu.memory_space<vmem>>, vector<1024x128xf32>
    %add3A_68 = arith.addf %broadcast_in_dim3A_17, %get3A_67 : vector<1024x128xf32>
    %slice3A_69 = vector.extract_strided_slice %reduce_sum3A_11 {offsets = [256], sizes = [128], strides = [1]} : vector<2048xf32> to vector<128xf32>
    %broadcast_in_dim3A_70 = vector.shape_cast %slice3A_69 : vector<128xf32> to vector<1x128xf32>
    %add3A_71 = vector.broadcast %broadcast_in_dim3A_70 : vector<1x128xf32> to vector<1024x128xf32>
    %add3A_72 = arith.addf %add3A_68, %add3A_71 : vector<1024x128xf32>
    %lt3A_73 = arith.cmpf olt, %add3A_72, %select_n3A_52 : vector<1024x128xf32>
    %select_n3A_74 = arith.select %lt3A_73, %add3A_72, %select_n3A_52 : vector<1024x128xi1>, vector<1024x128xf32>
    %mul3A_75 = arith.constant 16 : i32
    %mul3A_76 = arith.muli %arg0, %mul3A_75 : i32
    %add3A_77 = arith.constant 2 : i32
    %add3A_78 = arith.addi %mul3A_76, %add3A_77 : i32
    %broadcast_in_dim3A_79 = vector.broadcast %add3A_78 : i32 to vector<1024x128xi32>
    %select_n3A_80 = arith.select %lt3A_73, %broadcast_in_dim3A_79, %select_n3A_58 : vector<1024x128xi1>, vector<1024x128xi32>
    %get3A_81 = arith.constant 0 : index
    %get3A_82 = arith.constant 384 : index
    %get3A_83 = vector.load %arg4[%get3A_81, %get3A_82] : memref<1024x2048xf32, #tpu.memory_space<vmem>>, vector<1024x128xf32>
    %add3A_84 = arith.addf %broadcast_in_dim3A_17, %get3A_83 : vector<1024x128xf32>
    %slice3A_85 = vector.extract_strided_slice %reduce_sum3A_11 {offsets = [384], sizes = [128], strides = [1]} : vector<2048xf32> to vector<128xf32>
    %broadcast_in_dim3A_86 = vector.shape_cast %slice3A_85 : vector<128xf32> to vector<1x128xf32>
    %add3A_87 = vector.broadcast %broadcast_in_dim3A_86 : vector<1x128xf32> to vector<1024x128xf32>
    %add3A_88 = arith.addf %add3A_84, %add3A_87 : vector<1024x128xf32>
    %lt3A_89 = arith.cmpf olt, %add3A_88, %select_n3A_74 : vector<1024x128xf32>
    %select_n3A_90 = arith.select %lt3A_89, %add3A_88, %select_n3A_74 : vector<1024x128xi1>, vector<1024x128xf32>
    %mul3A_91 = arith.constant 16 : i32
    %mul3A_92 = arith.muli %arg0, %mul3A_91 : i32
    %add3A_93 = arith.constant 3 : i32
    %add3A_94 = arith.addi %mul3A_92, %add3A_93 : i32
    %broadcast_in_dim3A_95 = vector.broadcast %add3A_94 : i32 to vector<1024x128xi32>
    %select_n3A_96 = arith.select %lt3A_89, %broadcast_in_dim3A_95, %select_n3A_80 : vector<1024x128xi1>, vector<1024x128xi32>
    %slice3A_97 = vector.extract_strided_slice %get3A_4 {offsets = [0, 768], sizes = [16, 256], strides = [1, 1]} : vector<16x2048xf32> to vector<16x256xf32>
    %dot_general3A_98 = arith.constant dense<0.000000e+00> : vector<1024x256xf32>
    %dot_general3A_99 = tpu.matmul %mul3A_6, %slice3A_97, %dot_general3A_98 {dimension_numbers = #tpu.dot_dimension_numbers<[1], [0], [0], [1], [0, 0, 1, 1], [], []>, transpose_lhs_hint = false} : vector<1024x16xf32>, vector<16x256xf32>, vector<1024x256xf32> -> vector<1024x256xf32>
    %swap3A_100 = arith.constant 0 : index
    %swap3A_101 = arith.constant 768 : index
    %swap3A_102 = vector.load %arg4[%swap3A_100, %swap3A_101] : memref<1024x2048xf32, #tpu.memory_space<vmem>>, vector<1024x256xf32>
    tpu.vector_store %arg4[%swap3A_100, %swap3A_101], %dot_general3A_99 {strides = array<i32>} : memref<1024x2048xf32, #tpu.memory_space<vmem>>, vector<1024x256xf32>,
    %get3A_103 = arith.constant 0 : index
    %get3A_104 = arith.constant 512 : index
    %get3A_105 = vector.load %arg4[%get3A_103, %get3A_104] : memref<1024x2048xf32, #tpu.memory_space<vmem>>, vector<1024x128xf32>
    %add3A_106 = arith.addf %broadcast_in_dim3A_17, %get3A_105 : vector<1024x128xf32>
    %slice3A_107 = vector.extract_strided_slice %reduce_sum3A_11 {offsets = [512], sizes = [128], strides = [1]} : vector<2048xf32> to vector<128xf32>
    %broadcast_in_dim3A_108 = vector.shape_cast %slice3A_107 : vector<128xf32> to vector<1x128xf32>
    %add3A_109 = vector.broadcast %broadcast_in_dim3A_108 : vector<1x128xf32> to vector<1024x128xf32>
    %add3A_110 = arith.addf %add3A_106, %add3A_109 : vector<1024x128xf32>
    %lt3A_111 = arith.cmpf olt, %add3A_110, %select_n3A_90 : vector<1024x128xf32>
    %select_n3A_112 = arith.select %lt3A_111, %add3A_110, %select_n3A_90 : vector<1024x128xi1>, vector<1024x128xf32>
    %mul3A_113 = arith.constant 16 : i32
    %mul3A_114 = arith.muli %arg0, %mul3A_113 : i32
    %add3A_115 = arith.constant 4 : i32
    %add3A_116 = arith.addi %mul3A_114, %add3A_115 : i32
    %broadcast_in_dim3A_117 = vector.broadcast %add3A_116 : i32 to vector<1024x128xi32>
    %select_n3A_118 = arith.select %lt3A_111, %broadcast_in_dim3A_117, %select_n3A_96 : vector<1024x128xi1>, vector<1024x128xi32>
    %get3A_119 = arith.constant 0 : index
    %get3A_120 = arith.constant 640 : index
    %get3A_121 = vector.load %arg4[%get3A_119, %get3A_120] : memref<1024x2048xf32, #tpu.memory_space<vmem>>, vector<1024x128xf32>
    %add3A_122 = arith.addf %broadcast_in_dim3A_17, %get3A_121 : vector<1024x128xf32>
    %slice3A_123 = vector.extract_strided_slice %reduce_sum3A_11 {offsets = [640], sizes = [128], strides = [1]} : vector<2048xf32> to vector<128xf32>
    %broadcast_in_dim3A_124 = vector.shape_cast %slice3A_123 : vector<128xf32> to vector<1x128xf32>
    %add3A_125 = vector.broadcast %broadcast_in_dim3A_124 : vector<1x128xf32> to vector<1024x128xf32>
    %add3A_126 = arith.addf %add3A_122, %add3A_125 : vector<1024x128xf32>
    %lt3A_127 = arith.cmpf olt, %add3A_126, %select_n3A_112 : vector<1024x128xf32>
    %select_n3A_128 = arith.select %lt3A_127, %add3A_126, %select_n3A_112 : vector<1024x128xi1>, vector<1024x128xf32>
    %mul3A_129 = arith.constant 16 : i32
    %mul3A_130 = arith.muli %arg0, %mul3A_129 : i32
    %add3A_131 = arith.constant 5 : i32
    %add3A_132 = arith.addi %mul3A_130, %add3A_131 : i32
    %broadcast_in_dim3A_133 = vector.broadcast %add3A_132 : i32 to vector<1024x128xi32>
    %select_n3A_134 = arith.select %lt3A_127, %broadcast_in_dim3A_133, %select_n3A_118 : vector<1024x128xi1>, vector<1024x128xi32>
    %slice3A_135 = vector.extract_strided_slice %get3A_4 {offsets = [0, 1024], sizes = [16, 256], strides = [1, 1]} : vector<16x2048xf32> to vector<16x256xf32>
    %dot_general3A_136 = arith.constant dense<0.000000e+00> : vector<1024x256xf32>
    %dot_general3A_137 = tpu.matmul %mul3A_6, %slice3A_135, %dot_general3A_136 {dimension_numbers = #tpu.dot_dimension_numbers<[1], [0], [0], [1], [0, 0, 1, 1], [], []>, transpose_lhs_hint = false} : vector<1024x16xf32>, vector<16x256xf32>, vector<1024x256xf32> -> vector<1024x256xf32>
    %swap3A_138 = arith.constant 0 : index
    %swap3A_139 = arith.constant 1024 : index
    %swap3A_140 = vector.load %arg4[%swap3A_138, %swap3A_139] : memref<1024x2048xf32, #tpu.memory_space<vmem>>, vector<1024x256xf32>
    tpu.vector_store %arg4[%swap3A_138, %swap3A_139], %dot_general3A_137 {strides = array<i32>} : memref<1024x2048xf32, #tpu.memory_space<vmem>>, vector<1024x256xf32>,
    %get3A_141 = arith.constant 0 : index
    %get3A_142 = arith.constant 768 : index
    %get3A_143 = vector.load %arg4[%get3A_141, %get3A_142] : memref<1024x2048xf32, #tpu.memory_space<vmem>>, vector<1024x128xf32>
    %add3A_144 = arith.addf %broadcast_in_dim3A_17, %get3A_143 : vector<1024x128xf32>
    %slice3A_145 = vector.extract_strided_slice %reduce_sum3A_11 {offsets = [768], sizes = [128], strides = [1]} : vector<2048xf32> to vector<128xf32>
    %broadcast_in_dim3A_146 = vector.shape_cast %slice3A_145 : vector<128xf32> to vector<1x128xf32>
    %add3A_147 = vector.broadcast %broadcast_in_dim3A_146 : vector<1x128xf32> to vector<1024x128xf32>
    %add3A_148 = arith.addf %add3A_144, %add3A_147 : vector<1024x128xf32>
    %lt3A_149 = arith.cmpf olt, %add3A_148, %select_n3A_128 : vector<1024x128xf32>
    %select_n3A_150 = arith.select %lt3A_149, %add3A_148, %select_n3A_128 : vector<1024x128xi1>, vector<1024x128xf32>
    %mul3A_151 = arith.constant 16 : i32
    %mul3A_152 = arith.muli %arg0, %mul3A_151 : i32
    %add3A_153 = arith.constant 6 : i32
    %add3A_154 = arith.addi %mul3A_152, %add3A_153 : i32
    %broadcast_in_dim3A_155 = vector.broadcast %add3A_154 : i32 to vector<1024x128xi32>
    %select_n3A_156 = arith.select %lt3A_149, %broadcast_in_dim3A_155, %select_n3A_134 : vector<1024x128xi1>, vector<1024x128xi32>
    %get3A_157 = arith.constant 0 : index
    %get3A_158 = arith.constant 896 : index
    %get3A_159 = vector.load %arg4[%get3A_157, %get3A_158] : memref<1024x2048xf32, #tpu.memory_space<vmem>>, vector<1024x128xf32>
    %add3A_160 = arith.addf %broadcast_in_dim3A_17, %get3A_159 : vector<1024x128xf32>
    %slice3A_161 = vector.extract_strided_slice %reduce_sum3A_11 {offsets = [896], sizes = [128], strides = [1]} : vector<2048xf32> to vector<128xf32>
    %broadcast_in_dim3A_162 = vector.shape_cast %slice3A_161 : vector<128xf32> to vector<1x128xf32>
    %add3A_163 = vector.broadcast %broadcast_in_dim3A_162 : vector<1x128xf32> to vector<1024x128xf32>
    %add3A_164 = arith.addf %add3A_160, %add3A_163 : vector<1024x128xf32>
    %lt3A_165 = arith.cmpf olt, %add3A_164, %select_n3A_150 : vector<1024x128xf32>
    %select_n3A_166 = arith.select %lt3A_165, %add3A_164, %select_n3A_150 : vector<1024x128xi1>, vector<1024x128xf32>
    %mul3A_167 = arith.constant 16 : i32
    %mul3A_168 = arith.muli %arg0, %mul3A_167 : i32
    %add3A_169 = arith.constant 7 : i32
    %add3A_170 = arith.addi %mul3A_168, %add3A_169 : i32
    %broadcast_in_dim3A_171 = vector.broadcast %add3A_170 : i32 to vector<1024x128xi32>
    %select_n3A_172 = arith.select %lt3A_165, %broadcast_in_dim3A_171, %select_n3A_156 : vector<1024x128xi1>, vector<1024x128xi32>
    %slice3A_173 = vector.extract_strided_slice %get3A_4 {offsets = [0, 1280], sizes = [16, 256], strides = [1, 1]} : vector<16x2048xf32> to vector<16x256xf32>
    %dot_general3A_174 = arith.constant dense<0.000000e+00> : vector<1024x256xf32>
    %dot_general3A_175 = tpu.matmul %mul3A_6, %slice3A_173, %dot_general3A_174 {dimension_numbers = #tpu.dot_dimension_numbers<[1], [0], [0], [1], [0, 0, 1, 1], [], []>, transpose_lhs_hint = false} : vector<1024x16xf32>, vector<16x256xf32>, vector<1024x256xf32> -> vector<1024x256xf32>
    %swap3A_176 = arith.constant 0 : index
    %swap3A_177 = arith.constant 1280 : index
    %swap3A_178 = vector.load %arg4[%swap3A_176, %swap3A_177] : memref<1024x2048xf32, #tpu.memory_space<vmem>>, vector<1024x256xf32>
    tpu.vector_store %arg4[%swap3A_176, %swap3A_177], %dot_general3A_175 {strides = array<i32>} : memref<1024x2048xf32, #tpu.memory_space<vmem>>, vector<1024x256xf32>,
    %get3A_179 = arith.constant 0 : index
    %get3A_180 = arith.constant 1024 : index
    %get3A_181 = vector.load %arg4[%get3A_179, %get3A_180] : memref<1024x2048xf32, #tpu.memory_space<vmem>>, vector<1024x128xf32>
    %add3A_182 = arith.addf %broadcast_in_dim3A_17, %get3A_181 : vector<1024x128xf32>
    %slice3A_183 = vector.extract_strided_slice %reduce_sum3A_11 {offsets = [1024], sizes = [128], strides = [1]} : vector<2048xf32> to vector<128xf32>
    %broadcast_in_dim3A_184 = vector.shape_cast %slice3A_183 : vector<128xf32> to vector<1x128xf32>
    %add3A_185 = vector.broadcast %broadcast_in_dim3A_184 : vector<1x128xf32> to vector<1024x128xf32>
    %add3A_186 = arith.addf %add3A_182, %add3A_185 : vector<1024x128xf32>
    %lt3A_187 = arith.cmpf olt, %add3A_186, %select_n3A_166 : vector<1024x128xf32>
    %select_n3A_188 = arith.select %lt3A_187, %add3A_186, %select_n3A_166 : vector<1024x128xi1>, vector<1024x128xf32>
    %mul3A_189 = arith.constant 16 : i32
    %mul3A_190 = arith.muli %arg0, %mul3A_189 : i32
    %add3A_191 = arith.constant 8 : i32
    %add3A_192 = arith.addi %mul3A_190, %add3A_191 : i32
    %broadcast_in_dim3A_193 = vector.broadcast %add3A_192 : i32 to vector<1024x128xi32>
    %select_n3A_194 = arith.select %lt3A_187, %broadcast_in_dim3A_193, %select_n3A_172 : vector<1024x128xi1>, vector<1024x128xi32>
    %get3A_195 = arith.constant 0 : index
    %get3A_196 = arith.constant 1152 : index
    %get3A_197 = vector.load %arg4[%get3A_195, %get3A_196] : memref<1024x2048xf32, #tpu.memory_space<vmem>>, vector<1024x128xf32>
    %add3A_198 = arith.addf %broadcast_in_dim3A_17, %get3A_197 : vector<1024x128xf32>
    %slice3A_199 = vector.extract_strided_slice %reduce_sum3A_11 {offsets = [1152], sizes = [128], strides = [1]} : vector<2048xf32> to vector<128xf32>
    %broadcast_in_dim3A_200 = vector.shape_cast %slice3A_199 : vector<128xf32> to vector<1x128xf32>
    %add3A_201 = vector.broadcast %broadcast_in_dim3A_200 : vector<1x128xf32> to vector<1024x128xf32>
    %add3A_202 = arith.addf %add3A_198, %add3A_201 : vector<1024x128xf32>
    %lt3A_203 = arith.cmpf olt, %add3A_202, %select_n3A_188 : vector<1024x128xf32>
    %select_n3A_204 = arith.select %lt3A_203, %add3A_202, %select_n3A_188 : vector<1024x128xi1>, vector<1024x128xf32>
    %mul3A_205 = arith.constant 16 : i32
    %mul3A_206 = arith.muli %arg0, %mul3A_205 : i32
    %add3A_207 = arith.constant 9 : i32
    %add3A_208 = arith.addi %mul3A_206, %add3A_207 : i32
    %broadcast_in_dim3A_209 = vector.broadcast %add3A_208 : i32 to vector<1024x128xi32>
    %select_n3A_210 = arith.select %lt3A_203, %broadcast_in_dim3A_209, %select_n3A_194 : vector<1024x128xi1>, vector<1024x128xi32>
    %slice3A_211 = vector.extract_strided_slice %get3A_4 {offsets = [0, 1536], sizes = [16, 256], strides = [1, 1]} : vector<16x2048xf32> to vector<16x256xf32>
    %dot_general3A_212 = arith.constant dense<0.000000e+00> : vector<1024x256xf32>
    %dot_general3A_213 = tpu.matmul %mul3A_6, %slice3A_211, %dot_general3A_212 {dimension_numbers = #tpu.dot_dimension_numbers<[1], [0], [0], [1], [0, 0, 1, 1], [], []>, transpose_lhs_hint = false} : vector<1024x16xf32>, vector<16x256xf32>, vector<1024x256xf32> -> vector<1024x256xf32>
    %swap3A_214 = arith.constant 0 : index
    %swap3A_215 = arith.constant 1536 : index
    %swap3A_216 = vector.load %arg4[%swap3A_214, %swap3A_215] : memref<1024x2048xf32, #tpu.memory_space<vmem>>, vector<1024x256xf32>
    tpu.vector_store %arg4[%swap3A_214, %swap3A_215], %dot_general3A_213 {strides = array<i32>} : memref<1024x2048xf32, #tpu.memory_space<vmem>>, vector<1024x256xf32>,
    %get3A_217 = arith.constant 0 : index
    %get3A_218 = arith.constant 1280 : index
    %get3A_219 = vector.load %arg4[%get3A_217, %get3A_218] : memref<1024x2048xf32, #tpu.memory_space<vmem>>, vector<1024x128xf32>
    %add3A_220 = arith.addf %broadcast_in_dim3A_17, %get3A_219 : vector<1024x128xf32>
    %slice3A_221 = vector.extract_strided_slice %reduce_sum3A_11 {offsets = [1280], sizes = [128], strides = [1]} : vector<2048xf32> to vector<128xf32>
    %broadcast_in_dim3A_222 = vector.shape_cast %slice3A_221 : vector<128xf32> to vector<1x128xf32>
    %add3A_223 = vector.broadcast %broadcast_in_dim3A_222 : vector<1x128xf32> to vector<1024x128xf32>
    %add3A_224 = arith.addf %add3A_220, %add3A_223 : vector<1024x128xf32>
    %lt3A_225 = arith.cmpf olt, %add3A_224, %select_n3A_204 : vector<1024x128xf32>
    %select_n3A_226 = arith.select %lt3A_225, %add3A_224, %select_n3A_204 : vector<1024x128xi1>, vector<1024x128xf32>
    %mul3A_227 = arith.constant 16 : i32
    %mul3A_228 = arith.muli %arg0, %mul3A_227 : i32
    %add3A_229 = arith.constant 10 : i32
    %add3A_230 = arith.addi %mul3A_228, %add3A_229 : i32
    %broadcast_in_dim3A_231 = vector.broadcast %add3A_230 : i32 to vector<1024x128xi32>
    %select_n3A_232 = arith.select %lt3A_225, %broadcast_in_dim3A_231, %select_n3A_210 : vector<1024x128xi1>, vector<1024x128xi32>
    %get3A_233 = arith.constant 0 : index
    %get3A_234 = arith.constant 1408 : index
    %get3A_235 = vector.load %arg4[%get3A_233, %get3A_234] : memref<1024x2048xf32, #tpu.memory_space<vmem>>, vector<1024x128xf32>
    %add3A_236 = arith.addf %broadcast_in_dim3A_17, %get3A_235 : vector<1024x128xf32>
    %slice3A_237 = vector.extract_strided_slice %reduce_sum3A_11 {offsets = [1408], sizes = [128], strides = [1]} : vector<2048xf32> to vector<128xf32>
    %broadcast_in_dim3A_238 = vector.shape_cast %slice3A_237 : vector<128xf32> to vector<1x128xf32>
    %add3A_239 = vector.broadcast %broadcast_in_dim3A_238 : vector<1x128xf32> to vector<1024x128xf32>
    %add3A_240 = arith.addf %add3A_236, %add3A_239 : vector<1024x128xf32>
    %lt3A_241 = arith.cmpf olt, %add3A_240, %select_n3A_226 : vector<1024x128xf32>
    %select_n3A_242 = arith.select %lt3A_241, %add3A_240, %select_n3A_226 : vector<1024x128xi1>, vector<1024x128xf32>
    %mul3A_243 = arith.constant 16 : i32
    %mul3A_244 = arith.muli %arg0, %mul3A_243 : i32
    %add3A_245 = arith.constant 11 : i32
    %add3A_246 = arith.addi %mul3A_244, %add3A_245 : i32
    %broadcast_in_dim3A_247 = vector.broadcast %add3A_246 : i32 to vector<1024x128xi32>
    %select_n3A_248 = arith.select %lt3A_241, %broadcast_in_dim3A_247, %select_n3A_232 : vector<1024x128xi1>, vector<1024x128xi32>
    %slice3A_249 = vector.extract_strided_slice %get3A_4 {offsets = [0, 1792], sizes = [16, 256], strides = [1, 1]} : vector<16x2048xf32> to vector<16x256xf32>
    %dot_general3A_250 = arith.constant dense<0.000000e+00> : vector<1024x256xf32>
    %dot_general3A_251 = tpu.matmul %mul3A_6, %slice3A_249, %dot_general3A_250 {dimension_numbers = #tpu.dot_dimension_numbers<[1], [0], [0], [1], [0, 0, 1, 1], [], []>, transpose_lhs_hint = false} : vector<1024x16xf32>, vector<16x256xf32>, vector<1024x256xf32> -> vector<1024x256xf32>
    %swap3A_252 = arith.constant 0 : index
    %swap3A_253 = arith.constant 1792 : index
    %swap3A_254 = vector.load %arg4[%swap3A_252, %swap3A_253] : memref<1024x2048xf32, #tpu.memory_space<vmem>>, vector<1024x256xf32>
    tpu.vector_store %arg4[%swap3A_252, %swap3A_253], %dot_general3A_251 {strides = array<i32>} : memref<1024x2048xf32, #tpu.memory_space<vmem>>, vector<1024x256xf32>,
    %get3A_255 = arith.constant 0 : index
    %get3A_256 = arith.constant 1536 : index
    %get3A_257 = vector.load %arg4[%get3A_255, %get3A_256] : memref<1024x2048xf32, #tpu.memory_space<vmem>>, vector<1024x128xf32>
    %add3A_258 = arith.addf %broadcast_in_dim3A_17, %get3A_257 : vector<1024x128xf32>
    %slice3A_259 = vector.extract_strided_slice %reduce_sum3A_11 {offsets = [1536], sizes = [128], strides = [1]} : vector<2048xf32> to vector<128xf32>
    %broadcast_in_dim3A_260 = vector.shape_cast %slice3A_259 : vector<128xf32> to vector<1x128xf32>
    %add3A_261 = vector.broadcast %broadcast_in_dim3A_260 : vector<1x128xf32> to vector<1024x128xf32>
    %add3A_262 = arith.addf %add3A_258, %add3A_261 : vector<1024x128xf32>
    %lt3A_263 = arith.cmpf olt, %add3A_262, %select_n3A_242 : vector<1024x128xf32>
    %select_n3A_264 = arith.select %lt3A_263, %add3A_262, %select_n3A_242 : vector<1024x128xi1>, vector<1024x128xf32>
    %mul3A_265 = arith.constant 16 : i32
    %mul3A_266 = arith.muli %arg0, %mul3A_265 : i32
    %add3A_267 = arith.constant 12 : i32
    %add3A_268 = arith.addi %mul3A_266, %add3A_267 : i32
    %broadcast_in_dim3A_269 = vector.broadcast %add3A_268 : i32 to vector<1024x128xi32>
    %select_n3A_270 = arith.select %lt3A_263, %broadcast_in_dim3A_269, %select_n3A_248 : vector<1024x128xi1>, vector<1024x128xi32>
    %get3A_271 = arith.constant 0 : index
    %get3A_272 = arith.constant 1664 : index
    %get3A_273 = vector.load %arg4[%get3A_271, %get3A_272] : memref<1024x2048xf32, #tpu.memory_space<vmem>>, vector<1024x128xf32>
    %add3A_274 = arith.addf %broadcast_in_dim3A_17, %get3A_273 : vector<1024x128xf32>
    %slice3A_275 = vector.extract_strided_slice %reduce_sum3A_11 {offsets = [1664], sizes = [128], strides = [1]} : vector<2048xf32> to vector<128xf32>
    %broadcast_in_dim3A_276 = vector.shape_cast %slice3A_275 : vector<128xf32> to vector<1x128xf32>
    %add3A_277 = vector.broadcast %broadcast_in_dim3A_276 : vector<1x128xf32> to vector<1024x128xf32>
    %add3A_278 = arith.addf %add3A_274, %add3A_277 : vector<1024x128xf32>
    %lt3A_279 = arith.cmpf olt, %add3A_278, %select_n3A_264 : vector<1024x128xf32>
    %select_n3A_280 = arith.select %lt3A_279, %add3A_278, %select_n3A_264 : vector<1024x128xi1>, vector<1024x128xf32>
    %mul3A_281 = arith.constant 16 : i32
    %mul3A_282 = arith.muli %arg0, %mul3A_281 : i32
    %add3A_283 = arith.constant 13 : i32
    %add3A_284 = arith.addi %mul3A_282, %add3A_283 : i32
    %broadcast_in_dim3A_285 = vector.broadcast %add3A_284 : i32 to vector<1024x128xi32>
    %select_n3A_286 = arith.select %lt3A_279, %broadcast_in_dim3A_285, %select_n3A_270 : vector<1024x128xi1>, vector<1024x128xi32>
    %get3A_287 = arith.constant 0 : index
    %get3A_288 = arith.constant 1792 : index
    %get3A_289 = vector.load %arg4[%get3A_287, %get3A_288] : memref<1024x2048xf32, #tpu.memory_space<vmem>>, vector<1024x128xf32>
    %add3A_290 = arith.addf %broadcast_in_dim3A_17, %get3A_289 : vector<1024x128xf32>
    %slice3A_291 = vector.extract_strided_slice %reduce_sum3A_11 {offsets = [1792], sizes = [128], strides = [1]} : vector<2048xf32> to vector<128xf32>
    %broadcast_in_dim3A_292 = vector.shape_cast %slice3A_291 : vector<128xf32> to vector<1x128xf32>
    %add3A_293 = vector.broadcast %broadcast_in_dim3A_292 : vector<1x128xf32> to vector<1024x128xf32>
    %add3A_294 = arith.addf %add3A_290, %add3A_293 : vector<1024x128xf32>
    %lt3A_295 = arith.cmpf olt, %add3A_294, %select_n3A_280 : vector<1024x128xf32>
    %select_n3A_296 = arith.select %lt3A_295, %add3A_294, %select_n3A_280 : vector<1024x128xi1>, vector<1024x128xf32>
    %mul3A_297 = arith.constant 16 : i32
    %mul3A_298 = arith.muli %arg0, %mul3A_297 : i32
    %add3A_299 = arith.constant 14 : i32
    %add3A_300 = arith.addi %mul3A_298, %add3A_299 : i32
    %broadcast_in_dim3A_301 = vector.broadcast %add3A_300 : i32 to vector<1024x128xi32>
    %select_n3A_302 = arith.select %lt3A_295, %broadcast_in_dim3A_301, %select_n3A_286 : vector<1024x128xi1>, vector<1024x128xi32>
    %get3A_303 = arith.constant 0 : index
    %get3A_304 = arith.constant 1920 : index
    %get3A_305 = vector.load %arg4[%get3A_303, %get3A_304] : memref<1024x2048xf32, #tpu.memory_space<vmem>>, vector<1024x128xf32>
    %add3A_306 = arith.addf %broadcast_in_dim3A_17, %get3A_305 : vector<1024x128xf32>
    %slice3A_307 = vector.extract_strided_slice %reduce_sum3A_11 {offsets = [1920], sizes = [128], strides = [1]} : vector<2048xf32> to vector<128xf32>
    %broadcast_in_dim3A_308 = vector.shape_cast %slice3A_307 : vector<128xf32> to vector<1x128xf32>
    %add3A_309 = vector.broadcast %broadcast_in_dim3A_308 : vector<1x128xf32> to vector<1024x128xf32>
    %add3A_310 = arith.addf %add3A_306, %add3A_309 : vector<1024x128xf32>
    %lt3A_311 = arith.cmpf olt, %add3A_310, %select_n3A_296 : vector<1024x128xf32>
    %select_n3A_312 = arith.select %lt3A_311, %add3A_310, %select_n3A_296 : vector<1024x128xi1>, vector<1024x128xf32>
    %mul3A_313 = arith.constant 16 : i32
    %mul3A_314 = arith.muli %arg0, %mul3A_313 : i32
    %add3A_315 = arith.constant 15 : i32
    %add3A_316 = arith.addi %mul3A_314, %add3A_315 : i32
    %broadcast_in_dim3A_317 = vector.broadcast %add3A_316 : i32 to vector<1024x128xi32>
    %select_n3A_318 = arith.select %lt3A_311, %broadcast_in_dim3A_317, %select_n3A_302 : vector<1024x128xi1>, vector<1024x128xi32>
    %swap3A_319 = arith.constant 0 : index
    %swap3A_320 = arith.constant 0 : index
    %swap3A_321 = vector.load %arg6[%swap3A_319, %swap3A_320] : memref<1024x128xf32, #tpu.memory_space<vmem>>, vector<1024x128xf32>
    tpu.vector_store %arg6[%swap3A_319, %swap3A_320], %select_n3A_312 {strides = array<i32>} : memref<1024x128xf32, #tpu.memory_space<vmem>>, vector<1024x128xf32>,
    %swap3A_322 = arith.constant 0 : index
    %swap3A_323 = arith.constant 0 : index
    %swap3A_324 = vector.load %arg7[%swap3A_322, %swap3A_323] : memref<1024x128xi32, #tpu.memory_space<vmem>>, vector<1024x128xi32>
    tpu.vector_store %arg7[%swap3A_322, %swap3A_323], %select_n3A_318 {strides = array<i32>} : memref<1024x128xi32, #tpu.memory_space<vmem>>, vector<1024x128xi32>,
    %eq3A_325 = arith.constant 49 : i32
    %eq3A_326 = arith.cmpi eq, %arg0, %eq3A_325 : i32
    %convert_element_type3A_327 = arith.extui %eq3A_326 : i1 to i32
    %cond3A_328 = arith.constant 0 : i32
    %cond3A_329 = arith.cmpi ne, %convert_element_type3A_327, %cond3A_328 : i32
    scf.if %cond3A_329 {
      %get3A_330 = arith.constant 0 : index
      %get3A_331 = arith.constant 0 : index
      %get3A_332 = vector.load %arg6[%get3A_330, %get3A_331] : memref<1024x128xf32, #tpu.memory_space<vmem>>, vector<1024x128xf32>
      %reduce_min3A = arith.constant dense<0x7F800000> : vector<1024xf32>
      %reduce_min3A_333 = vector.multi_reduction <minimumf>, %get3A_332, %reduce_min3A [1] : vector<1024x128xf32> to vector<1024xf32>
      %broadcast_in_dim3A_334 = vector.shape_cast %reduce_min3A_333 : vector<1024xf32> to vector<1024x1xf32>
      %get3A_335 = arith.constant 0 : index
      %get3A_336 = arith.constant 0 : index
      %get3A_337 = vector.load %arg7[%get3A_335, %get3A_336] : memref<1024x128xi32, #tpu.memory_space<vmem>>, vector<1024x128xi32>
      %mul3A_338 = arith.constant 128 : i32
      %mul3A_339 = vector.broadcast %mul3A_338 : i32 to vector<1024x128xi32>
      %mul3A_340 = arith.muli %get3A_337, %mul3A_339 : vector<1024x128xi32>
      %iota3A = tpu.iota {dimensions = array<i32: 1>} : vector<1024x128xi32>
      %add3A_341 = arith.addi %mul3A_340, %iota3A : vector<1024x128xi32>
      %eq3A_342 = vector.broadcast %broadcast_in_dim3A_334 : vector<1024x1xf32> to vector<1024x128xf32>
      %eq3A_343 = arith.cmpf oeq, %get3A_332, %eq3A_342 : vector<1024x128xf32>
      %jit3A = arith.constant 2147483647 : i32
      %broadcast_in_dim3A_344 = vector.broadcast %jit3A : i32 to vector<1024x128xi32>
      %select_n3A_345 = arith.select %eq3A_343, %add3A_341, %broadcast_in_dim3A_344 : vector<1024x128xi1>, vector<1024x128xi32>
      %reduce_min3A_346 = arith.constant dense<2147483647> : vector<1024xi32>
      %reduce_min3A_347 = vector.multi_reduction <minsi>, %select_n3A_345, %reduce_min3A_346 [1] : vector<1024x128xi32> to vector<1024xi32>
      %swap3A_348 = arith.constant 0 : index
      %swap3A_349 = vector.load %arg3[%swap3A_348] : memref<1024xi32, #tpu.memory_space<vmem>>, vector<1024xi32>
      tpu.vector_store %arg3[%swap3A_348], %reduce_min3A_347 {strides = array<i32>} : memref<1024xi32, #tpu.memory_space<vmem>>, vector<1024xi32>,
    } else {
    }
    return
  }
  func.func @transform_0(%arg0: i32) -> (i32, i32) {
    %c0_i32 = arith.constant 0 : i32
    %c0_i32_0 = arith.constant 0 : i32
    %c0_i32_1 = arith.constant 0 : i32
    return %c0_i32, %c0_i32_0 : i32, i32
  }
  func.func @transform_1(%arg0: i32) -> (i32, i32) {
    %c0_i32 = arith.constant 0 : i32
    %c0_i32_0 = arith.constant 0 : i32
    return %c0_i32, %arg0 : i32, i32
  }
  func.func @transform_2(%arg0: i32) -> i32 {
    %c0_i32 = arith.constant 0 : i32
    %c0_i32_0 = arith.constant 0 : i32
    return %c0_i32 : i32
  }
}

module attributes {stable_mosaic.version = 14 : i64} {
  func.func @_extract_body(%arg0: memref<1024x128xf32, #tpu.memory_space<vmem>>, %arg1: memref<1024x1xi32, #tpu.memory_space<vmem>>, %arg2: memref<1024x16xf32, #tpu.memory_space<vmem>>) attributes {dimension_semantics = [], scalar_prefetch = 0 : i64, scratch_operands = 0 : i64, tpu.core_type = #tpu.core_type<tc>} {
    %get3A = arith.constant 0 : index
    %get3A_0 = arith.constant 0 : index
    %get3A_1 = vector.load %arg1[%get3A, %get3A_0] : memref<1024x1xi32, #tpu.memory_space<vmem>>, vector<1024x1xi32>
    %and3A = arith.constant 7 : i32
    %and3A_2 = vector.broadcast %and3A : i32 to vector<1024x1xi32>
    %and3A_3 = arith.andi %get3A_1, %and3A_2 : vector<1024x1xi32>
    %broadcast_in_dim3A = arith.constant 0.000000e+00 : f32
    %broadcast_in_dim3A_4 = vector.broadcast %broadcast_in_dim3A : f32 to vector<1024x16xf32>
    %eq3A = arith.constant 0 : i32
    %eq3A_5 = vector.broadcast %eq3A : i32 to vector<1024x1xi32>
    %eq3A_6 = arith.cmpi eq, %and3A_3, %eq3A_5 : vector<1024x1xi32>
    %get3A_7 = arith.constant 0 : index
    %get3A_8 = arith.constant 0 : index
    %get3A_9 = vector.load %arg0[%get3A_7, %get3A_8] : memref<1024x128xf32, #tpu.memory_space<vmem>>, vector<1024x16xf32>
    %broadcast_in_dim3A_10 = vector.shape_cast %eq3A_6 : vector<1024x1xi1> to vector<1024x1xi1>
    %broadcast_in_dim3A_11 = vector.broadcast %broadcast_in_dim3A_10 : vector<1024x1xi1> to vector<1024x16xi1>
    %select_n3A = arith.select %broadcast_in_dim3A_11, %get3A_9, %broadcast_in_dim3A_4 : vector<1024x16xi1>, vector<1024x16xf32>
    %eq3A_12 = arith.constant 1 : i32
    %eq3A_13 = vector.broadcast %eq3A_12 : i32 to vector<1024x1xi32>
    %eq3A_14 = arith.cmpi eq, %and3A_3, %eq3A_13 : vector<1024x1xi32>
    %get3A_15 = arith.constant 0 : index
    %get3A_16 = arith.constant 16 : index
    %get3A_17 = vector.load %arg0[%get3A_15, %get3A_16] : memref<1024x128xf32, #tpu.memory_space<vmem>>, vector<1024x16xf32>
    %broadcast_in_dim3A_18 = vector.shape_cast %eq3A_14 : vector<1024x1xi1> to vector<1024x1xi1>
    %broadcast_in_dim3A_19 = vector.broadcast %broadcast_in_dim3A_18 : vector<1024x1xi1> to vector<1024x16xi1>
    %select_n3A_20 = arith.select %broadcast_in_dim3A_19, %get3A_17, %select_n3A : vector<1024x16xi1>, vector<1024x16xf32>
    %eq3A_21 = arith.constant 2 : i32
    %eq3A_22 = vector.broadcast %eq3A_21 : i32 to vector<1024x1xi32>
    %eq3A_23 = arith.cmpi eq, %and3A_3, %eq3A_22 : vector<1024x1xi32>
    %get3A_24 = arith.constant 0 : index
    %get3A_25 = arith.constant 32 : index
    %get3A_26 = vector.load %arg0[%get3A_24, %get3A_25] : memref<1024x128xf32, #tpu.memory_space<vmem>>, vector<1024x16xf32>
    %broadcast_in_dim3A_27 = vector.shape_cast %eq3A_23 : vector<1024x1xi1> to vector<1024x1xi1>
    %broadcast_in_dim3A_28 = vector.broadcast %broadcast_in_dim3A_27 : vector<1024x1xi1> to vector<1024x16xi1>
    %select_n3A_29 = arith.select %broadcast_in_dim3A_28, %get3A_26, %select_n3A_20 : vector<1024x16xi1>, vector<1024x16xf32>
    %eq3A_30 = arith.constant 3 : i32
    %eq3A_31 = vector.broadcast %eq3A_30 : i32 to vector<1024x1xi32>
    %eq3A_32 = arith.cmpi eq, %and3A_3, %eq3A_31 : vector<1024x1xi32>
    %get3A_33 = arith.constant 0 : index
    %get3A_34 = arith.constant 48 : index
    %get3A_35 = vector.load %arg0[%get3A_33, %get3A_34] : memref<1024x128xf32, #tpu.memory_space<vmem>>, vector<1024x16xf32>
    %broadcast_in_dim3A_36 = vector.shape_cast %eq3A_32 : vector<1024x1xi1> to vector<1024x1xi1>
    %broadcast_in_dim3A_37 = vector.broadcast %broadcast_in_dim3A_36 : vector<1024x1xi1> to vector<1024x16xi1>
    %select_n3A_38 = arith.select %broadcast_in_dim3A_37, %get3A_35, %select_n3A_29 : vector<1024x16xi1>, vector<1024x16xf32>
    %eq3A_39 = arith.constant 4 : i32
    %eq3A_40 = vector.broadcast %eq3A_39 : i32 to vector<1024x1xi32>
    %eq3A_41 = arith.cmpi eq, %and3A_3, %eq3A_40 : vector<1024x1xi32>
    %get3A_42 = arith.constant 0 : index
    %get3A_43 = arith.constant 64 : index
    %get3A_44 = vector.load %arg0[%get3A_42, %get3A_43] : memref<1024x128xf32, #tpu.memory_space<vmem>>, vector<1024x16xf32>
    %broadcast_in_dim3A_45 = vector.shape_cast %eq3A_41 : vector<1024x1xi1> to vector<1024x1xi1>
    %broadcast_in_dim3A_46 = vector.broadcast %broadcast_in_dim3A_45 : vector<1024x1xi1> to vector<1024x16xi1>
    %select_n3A_47 = arith.select %broadcast_in_dim3A_46, %get3A_44, %select_n3A_38 : vector<1024x16xi1>, vector<1024x16xf32>
    %eq3A_48 = arith.constant 5 : i32
    %eq3A_49 = vector.broadcast %eq3A_48 : i32 to vector<1024x1xi32>
    %eq3A_50 = arith.cmpi eq, %and3A_3, %eq3A_49 : vector<1024x1xi32>
    %get3A_51 = arith.constant 0 : index
    %get3A_52 = arith.constant 80 : index
    %get3A_53 = vector.load %arg0[%get3A_51, %get3A_52] : memref<1024x128xf32, #tpu.memory_space<vmem>>, vector<1024x16xf32>
    %broadcast_in_dim3A_54 = vector.shape_cast %eq3A_50 : vector<1024x1xi1> to vector<1024x1xi1>
    %broadcast_in_dim3A_55 = vector.broadcast %broadcast_in_dim3A_54 : vector<1024x1xi1> to vector<1024x16xi1>
    %select_n3A_56 = arith.select %broadcast_in_dim3A_55, %get3A_53, %select_n3A_47 : vector<1024x16xi1>, vector<1024x16xf32>
    %eq3A_57 = arith.constant 6 : i32
    %eq3A_58 = vector.broadcast %eq3A_57 : i32 to vector<1024x1xi32>
    %eq3A_59 = arith.cmpi eq, %and3A_3, %eq3A_58 : vector<1024x1xi32>
    %get3A_60 = arith.constant 0 : index
    %get3A_61 = arith.constant 96 : index
    %get3A_62 = vector.load %arg0[%get3A_60, %get3A_61] : memref<1024x128xf32, #tpu.memory_space<vmem>>, vector<1024x16xf32>
    %broadcast_in_dim3A_63 = vector.shape_cast %eq3A_59 : vector<1024x1xi1> to vector<1024x1xi1>
    %broadcast_in_dim3A_64 = vector.broadcast %broadcast_in_dim3A_63 : vector<1024x1xi1> to vector<1024x16xi1>
    %select_n3A_65 = arith.select %broadcast_in_dim3A_64, %get3A_62, %select_n3A_56 : vector<1024x16xi1>, vector<1024x16xf32>
    %eq3A_66 = arith.constant 7 : i32
    %eq3A_67 = vector.broadcast %eq3A_66 : i32 to vector<1024x1xi32>
    %eq3A_68 = arith.cmpi eq, %and3A_3, %eq3A_67 : vector<1024x1xi32>
    %get3A_69 = arith.constant 0 : index
    %get3A_70 = arith.constant 112 : index
    %get3A_71 = vector.load %arg0[%get3A_69, %get3A_70] : memref<1024x128xf32, #tpu.memory_space<vmem>>, vector<1024x16xf32>
    %broadcast_in_dim3A_72 = vector.shape_cast %eq3A_68 : vector<1024x1xi1> to vector<1024x1xi1>
    %broadcast_in_dim3A_73 = vector.broadcast %broadcast_in_dim3A_72 : vector<1024x1xi1> to vector<1024x16xi1>
    %select_n3A_74 = arith.select %broadcast_in_dim3A_73, %get3A_71, %select_n3A_65 : vector<1024x16xi1>, vector<1024x16xf32>
    %swap3A = arith.constant 0 : index
    %swap3A_75 = arith.constant 0 : index
    %swap3A_76 = vector.load %arg2[%swap3A, %swap3A_75] : memref<1024x16xf32, #tpu.memory_space<vmem>>, vector<1024x16xf32>
    tpu.vector_store %arg2[%swap3A, %swap3A_75], %select_n3A_74 {strides = array<i32>} : memref<1024x16xf32, #tpu.memory_space<vmem>>, vector<1024x16xf32>,
    return
  }
}

</mosaic_0001>

<sc_bundles>
// kernel: kernel.5.cloned.1.call-start
scs
__scs_entry_jumppad:
0x0: {  	(pc) =	sbr.rel $0x88, $3  }
0x1: {  	(tag) =	ssettag $0x0;
	lr =	simm.s32 $0x1  }
0x2: {  	[smem:$0x3F9F] =	sst lr;
	_ =	strace $0xD0000000  }
0x3: {  	_ = 	snop  }
0x4: {  	_ = 	snop  }
0x5: {  	_ = 	snop  }
0x6: {  	_ = 	snop  }
0x7: {  	_ = 	snop  }
__scs_overlays_trampoline_lowered:
0x8: {  	[smem:$0x3FAE] =	sst s0  }
0x9: {  	[smem:$0x3FAF] =	sst s1  }
0xa: {  	[smem:$0x3FB0] =	sst s2  }
0xb: {  	[smem:$0x3FB1] =	sst s3  }
0xc: {  	[smem:$0x3FB2] =	sst s4  }
0xd: {  	[smem:$0x3FB3] =	sst s5  }
0xe: {  	[smem:$0x3FB4] =	sst s6  }
0xf: {  	[smem:$0x3FB5] =	sst s7  }
0x10: {  	[smem:$0x3FB6] =	sst s8  }
0x11: {  	[smem:$0x3FB7] =	sst s9;
	s0 =	simm.s32 @!p0 $0x0  }
0x12: {  	s1 =	sld [smem:$0x3F9D];
	s0 =	simm.s32 @p0 $0x1  }
0x13: {  	[smem:$0x3FB8] =	sst s0;
	s0 =	simm.s32 @!p1 $0x0  }
0x14: {  	s2 =	sld [smem:$0x3F9C];
	s0 =	simm.s32 @p1 $0x1  }
0x15: {  	[smem:$0x3FB9] =	sst s0;
	s0 =	simm.s32 @!p2 $0x0  }
0x16: {  	s3 =	sld [smem:$0x3FDB];
	s0 =	simm.s32 @p2 $0x1  }
0x17: {  	s4 =	simm.s32 $0x1BF5;
	[smem:$0x3FBB] =	sst s0  }
0x18: {  	s0 =	sld [smem:$0x3F9E];
	_ =	swait.ge [sflag:s4], $0x0  }
0x19: {  	s7 =	sld [smem:$0x3F9F]  }
0x1a: {  	s8 =	sadd.s32 $0xFFFFE003, lr  }
0x1b: {  	s9 =	sadd.s32 $0xFFFFFEF7, lr;
	s5 =	simm.s32 $0xFFFFFFFF;
	p2 =	slt.u32 s8, $0xFFFFF086  }
0x1c: {  	p1 =	slt.u32 s9, $0xF7A;
	s5 =	simm.s32 @!p2 $0x0  }
0x1d: {  	s5 =	simm.s32 @p1 $0x1;
	p0 =	seq.s32 s7, s2  }
0x1e: {  	s7 =	smul.u32 @!p0 $0xF7A, s2;
	p2 =	seq.s32 @!p0 s5, $0x0  }
0x1f: {  	s9 =	smul.u32 $0xF7A, s1;
	s8 =	simm.s32 @!p0 $0x1BF5;
	p2 =	por !p2, p0  }
0x20: {  	[sflag:s8] =	ssyncset.s32 @!p0 $0xFFFFF086;
	s6 =	sadd.s32 @!p0 s3, s7;
	s7 =	simm.s32 @!p0 $0x108  }
0x21: {  	s3 =	sadd.s32 s3, s9;
	s6 =	sadd.s32 @!p0 $0x88, s6;
	s7 =	simm.s32 @p2 $0x1082  }
0x22: {  	[simem:s7], [sflag:s8] =	dma.local @!p0 [hbm:s6], $0xF7A  }
0x23: {  	s9 =	sor.u32 $0xD0000000, s2;
	s6 =	simm.s32 $0x108;
	_ =	swait.ge @!p0 [sflag:s8], $0x0  }
0x24: {  	s3 =	sadd.s32 $0x88, s3;
	s6 =	simm.s32 @!p1 $0x1082;
	[sflag:s4] =	ssyncset.s32 $0xFFFFF086  }
0x25: {  	[simem:s6], [sflag:s4] =	dma.local [hbm:s3], $0xF7A  }
0x26: {  	[smem:$0x3F9F] =	sst s1;
	(tag) =	ssettag s2;
	_ =	strace s9  }
0x27: {  	s1 =	sld [smem:$0x3FAF]  }
0x28: {  	s2 =	sld [smem:$0x3FB0]  }
0x29: {  	s4 =	sld [smem:$0x3FB2]  }
0x2a: {  	p0 =	seq.s32 s5, $0x0;
	s5 =	sld [smem:$0x3FB3]  }
0x2b: {  	s6 =	sld [smem:$0x3FB4]  }
0x2c: {  	s7 =	sld [smem:$0x3FB5]  }
0x2d: {  	s3 =	simm.s32 $0x108;
	s8 =	sld [smem:$0x3FB6]  }
0x2e: {  	s3 =	simm.s32 @!p0 $0x1082;
	s9 =	sld [smem:$0x3FB7]  }
0x2f: {  	lr =	sadd.s32 s0, s3;
	s0 =	sld [smem:$0x3FAE]  }
0x30: {  	s3 =	sld [smem:$0x3FB1]  }
0x31: {  	[smem:$0x3FBA] =	sst s10  }
0x32: {  	s10 =	sld [smem:$0x3FB8];
	_ =	sdelay $0x3  }
0x33: {  	p0 =	seq.s32 s10, $0x1;
	s10 =	sld [smem:$0x3FBA];
	_ =	sdelay $0x3  }
0x34: {  	[smem:$0x3FBA] =	sst s10  }
0x35: {  	s10 =	sld [smem:$0x3FB9];
	_ =	sdelay $0x3  }
0x36: {  	p1 =	seq.s32 s10, $0x1;
	s10 =	sld [smem:$0x3FBA];
	_ =	sdelay $0x3  }
0x37: {  	[smem:$0x3FBA] =	sst s10  }
0x38: {  	s10 =	sld [smem:$0x3FBB]  }
0x39: {  	_ = 	snop;
	(pc) =	sbr.ind lr, $3  }
0x3a: {  	_ = 	snop  }
0x3b: {  	_ = 	snop  }
0x3c: {  	p2 =	seq.s32 s10, $0x1;
	s10 =	sld [smem:$0x3FBA]  }
0x3d: {  	_ =	shalt  }
0x3e: {  	_ =	shalt  }
0x3f: {  	_ =	shalt  }
0x40: {  	_ =	shalt  }
0x41: {  	_ =	shalt  }
0x42: {  	_ =	shalt  }
0x43: {  	_ =	shalt  }
0x44: {  	_ =	shalt  }
0x45: {  	_ =	shalt  }
0x46: {  	_ =	shalt  }
0x47: {  	_ =	shalt  }
0x48: {  	_ =	shalt  }
0x49: {  	_ =	shalt  }
0x4a: {  	_ =	shalt  }
0x4b: {  	_ =	shalt  }
0x4c: {  	_ =	shalt  }
0x4d: {  	_ =	shalt  }
0x4e: {  	_ =	shalt  }
0x4f: {  	_ =	shalt  }
0x50: {  	_ =	shalt  }
0x51: {  	_ =	shalt  }
0x52: {  	_ =	shalt  }
0x53: {  	_ =	shalt  }
0x54: {  	_ =	shalt  }
0x55: {  	_ =	shalt  }
0x56: {  	_ =	shalt  }
0x57: {  	_ =	shalt  }
0x58: {  	_ =	shalt  }
0x59: {  	_ =	shalt  }
0x5a: {  	_ =	shalt  }
0x5b: {  	_ =	shalt  }
0x5c: {  	_ =	shalt  }
0x5d: {  	_ =	shalt  }
0x5e: {  	_ =	shalt  }
0x5f: {  	_ =	shalt  }
0x60: {  	_ =	shalt  }
0x61: {  	_ =	shalt  }
0x62: {  	_ =	shalt  }
0x63: {  	_ =	shalt  }
0x64: {  	_ =	shalt  }
0x65: {  	_ =	shalt  }
0x66: {  	_ =	shalt  }
0x67: {  	_ =	shalt  }
0x68: {  	_ =	shalt  }
0x69: {  	_ =	shalt  }
0x6a: {  	_ =	shalt  }
0x6b: {  	_ =	shalt  }
0x6c: {  	_ =	shalt  }
0x6d: {  	_ =	shalt  }
0x6e: {  	_ =	shalt  }
0x6f: {  	_ =	shalt  }
0x70: {  	_ =	shalt  }
0x71: {  	_ =	shalt  }
0x72: {  	_ =	shalt  }
0x73: {  	_ =	shalt  }
0x74: {  	_ =	shalt  }
0x75: {  	_ =	shalt  }
0x76: {  	_ =	shalt  }
0x77: {  	_ =	shalt  }
0x78: {  	_ =	shalt  }
0x79: {  	_ =	shalt  }
0x7a: {  	_ =	shalt  }
0x7b: {  	_ =	shalt  }
0x7c: {  	_ =	shalt  }
0x7d: {  	_ =	shalt  }
0x7e: {  	_ =	shalt  }
0x7f: {  	_ =	shalt  }
0x80: {  	_ =	shalt  }
0x81: {  	_ =	shalt  }
0x82: {  	_ =	shalt  }
0x83: {  	_ =	shalt  }
0x84: {  	_ =	shalt  }
0x85: {  	_ =	shalt  }
0x86: {  	_ =	shalt  }
0x87: {  	_ =	shalt  }
.Lfunc_end0:
.L_simem_size_0:
called_computation_lowered:
.L_overlay_start_0:
0x88: {  	s2 =	sld [smem:$0x3FD9]  }
0x89: {  	s3 =	sld [smem:$0x3FFE];
	_ =	sdelay $0x1  }
0x8a: {  	s1 =	srdreg.scid  }
0x8b: {  	s0 =	sand.u32 $0x1, s1  }
0x8c: {  	s14 =	sshll.u32 s0, $0xA;
	s2 =	sadd.s32 s3, s2  }
0x8d: {  	s2 =	sadd.s32 s2, s14  }
0x8e: {  	[smem:$0x3FC6] =	sst s2  }
0x8f: {  	_ = 	snop  }
0x90: {  	s2 =	sld [smem:$0x3FD0];
	_ =	sdelay $0x2  }
0x91: {  	s15 =	simm.s32 $0xA;
	s4 =	simm.s32 $0x10  }
0x92: {  	[smem:s4], [sflag:s15] =	dma.local [hbm:s2], $0x1  }
0x93: {  	_ =	swait.eq [sflag:s15], $0x1  }
0x94: {  	[sflag:s15] =	ssyncset.done $0x0  }
0x95: {  	[sflag:s15] =	ssyncadd.s32 $0xFFFFFFFF  }
0x96: {  	s16 =	sld [smem:$0x10];
	(tm) =	ssettm $0x1  }
0x97: {  	s17 =	sld [smem:$0x3FFB];
	_ =	sdelay $0x3  }
0x98: {  	_ =	strace s17  }
0x99: {  	s3 =	sld [smem:$0x3FFC];
	_ =	sdelay $0x3  }
0x9a: {  	_ =	strace s3  }
0x9b: {  	s3 =	sld [smem:$0x3FFD];
	_ =	sdelay $0x3  }
0x9c: {  	_ =	strace s3  }
0x9d: {  	_ =	strace $0x8FFFFFFF  }
0x9e: {  	s18 =	sld [smem:$0x3FDB];
	_ =	sdelay $0x1  }
0x9f: {  	s19 =	simm.s32 $_scs_section_size  }
0xa0: {  	s5 =	simm.s32 $_size__tile_overlayer_lowered;
	s6 =	simm.s32 $_tile_overlayer_lowered  }
0xa1: {  	s22 =	simm.s32 $0x1BFF;
	s21 =	sshll.u32 s6, $0x1;
	s3 =	sadd.s32 s19, s18  }
0xa2: {  	s7 =	simm.s32 $0x0;
	s20 =	sshll.u32 s5, $0x1;
	s5 =	sadd.s32 s21, s3  }
0xa3: {  	[timem:s7], [sflag:s22] =	dma.local [hbm:s5], s20  }
0xa4: {  	_ =	swait.ge [sflag:s22], s20  }
0xa5: {  	s4 =	ssub.s32 $0x0, s20;
	[sflag:s22] =	ssyncset.done $0x0  }
0xa6: {  	[sflag:s22] =	ssyncadd.s32 s4;
	_ =	sdelay $0x1  }
0xa7: {  	s23 =	simm.s32 $0x1B8B  }
0xa8: {  	_ =	swait.ge [sflag:s23], $0x1  }
0xa9: {  	[sflag:s23] =	ssyncset.done $0x0  }
0xaa: {  	s25 =	simm.s32 $0x1B8E;
	s24 =	sld [smem:$0x3FFE];
	[sflag:s23] =	ssyncadd.s32 $0xFFFFFFFF  }
0xab: {  	s26 =	simm.s32 $execute0_lowered;
	[smem:$0x3FD2] =	sst s25  }
0xac: {  	s5 =	sshll.u32 s26, $0x1;
	_ =	strace $0x80000046;
	[dreg:$0x1] =	wrdreg $0xFFFFFFFF  }
0xad: {  	s28 =	simm.s32 $_size_execute0_lowered;
	s3 =	sadd.s32 s3, s5;
	[dreg:$0x0] =	wrdreg $0x0  }
0xae: {  	s5 =	sshll.u32 s28, $0x1;
	[dreg:$0x2] =	wrdreg s3  }
0xaf: {  	[dreg:$0x3] =	wrdreg s5  }
0xb0: {  	[dreg:$0x4] =	wrdreg $0xC0  }
0xb1: {  	_ =	task [dreg:s7], $0x5FFFF  }
0xb2: {  	[dreg:$0x1] =	wrdreg $0xFFFFFFFF  }
0xb3: {  	[dreg:$0x0] =	wrdreg $0x60  }
0xb4: {  	[dreg:$0x2] =	wrdreg s24  }
0xb5: {  	[dreg:$0x3] =	wrdreg s16  }
0xb6: {  	[dreg:$0x4] =	wrdreg $0x9  }
0xb7: {  	_ =	task.clear_ibuf [dreg:s7], $0x5FFFF;
	_ =	strace $0x90000046  }
0xb8: {  	s29 =	simm.s32 $0x9;
	_ =	strace $0x80000048  }
0xb9: {  	_ =	swait.ge [sflag:s29], $0x1  }
0xba: {  	[sflag:s29] =	ssyncadd.s32 $0xFFFFFFFF  }
0xbb: {  	_ =	strace $0x90000048  }
0xbc: {  	_ =	sfence  }
0xbd: {  	s30 =	sld [smem:$0x0];
	_ =	sdelay $0x2  }
0xbe: {  	s31 =	sshll.u32 s1, $0xD;
	s1 =	sshrl.u32 s1, $0x2  }
0xbf: {  	s3 =	sand.u32 $0x4000, s31;
	s1 =	sadd.s32 s1, s30  }
0xc0: {  	s0 =	sor.u32 s3, s0;
	s1 =	sshll.u32 s1, $0x11  }
0xc1: {  	s0 =	sor.u32 s1, s0  }
0xc2: {  	s0 =	sadd.s32 $0x8F2B, s0  }
0xc3: {  	[sflag:s0] =	ssyncadd.remote.s32 $0x1  }
0xc4: {  	_ =	sfence.sel $0xFFFF  }
0xc5: {  	[dreg:$0x0] =	wrdreg $0xFFFFFFFF;
	(pc) =	sbr.abs _section_cstart, $3  }
0xc6: {  	[dreg:$0x1] =	wrdreg $0xFFFFFFFF  }
0xc7: {  	_ =	task.clear_ibuf [dreg:s7], $0x2FFFF;
	_ =	strace $0x9FFFFFFF  }
0xc8: {  	(tm) =	ssettm $0x7FFFFFFF  }
0xc9: {  	_ =	shalt  }
tec
execute0_lowered:
.L_overlay_start_1:
0x0: {  	(tag) =	ssettag $0x1  }
0x1: {  	s1 =	srdreg.scid  }
0x2: {  	s10 =	rddreg [dreg:$0x0];
	s0 =	stileid.u32;
	s6 =	sand.u32 $0x1, s1  }
0x3: {  	s3 =	rddreg [dreg:$0x1];
	s4 =	sshll.u32 s0, $0x6;
	s5 =	sshll.u32 s6, $0x5  }
0x4: {  	s2 =	simm.s32 $0x0;
	s1 =	rddreg [dreg:$0x2];
	s11 =	sor.u32 s5, s4  }
0x5: {  	[smem:$0x7FF] =	sst s2;
	s4 =	sshrl.u32 s11, $0x3  }
0x6: {  	_ =	strace $0x80000047;
	s4 =	sadd.s32 s3, s4;
	s3 =	simm.s32 $0x2  }
0x7: {  	[tilespmem:s2], [sflag:$0x2] =	stream.linear.gather [hbm4b:s4+s2], $0x20, $0x38;
	[tilespmem:$0x1100] =	vst v63  }
0x8: {  	_ =	swait.ge [sflag:s3], $0x20  }
0x9: {  	[sflag:s3] =	ssyncset.done $0x0  }
0xa: {  	[sflag:s3] =	ssyncadd.s32 $0xFFFFFFE0  }
0xb: {  	v0 =	vld [tilespmem:$0x0]  }
0xc: {  	v1 =	vld [tilespmem:$0x10];
	_ =	sdelay $0x1  }
0xd: {  	s12 =	ssub.s32 $0x2, s6  }
0xe: {  	s7 =	simm.s32 $0x80;
	s13 =	sshrl.u32 s12, $0x1  }
0xf: {  	s8 =	simm.s32 $0x100;
	s11 =	sshll.u32 s11, $0x4;
	s31 =	ssub.s32 s12, s13;
	v0 =	vshrl.u32 v0, $0x3  }
0x10: {  	s5 =	sadd.s32 $0x187C00, s10;
	s10 =	sadd.s32 s11, s10;
	s11 =	smax.u32 s31, $0x1;
	v63 =	vshrl.u32 v1, $0x3;
	[tilespmem:$0x80] =	vst v0  }
0x11: {  	s9 =	simm.s32 $0x1;
	s6 =	simm.s32 $0x20;
	p0 =	sne.s32 s11, $0x1;
	[tilespmem:$0x90] =	vst v63  }
0x12: {  	[tilespmem:s8], [sflag:$0x1] =	stream.indirect.gather [hbm4b:s5+s6], $0x80, s7, s6, $0xb8;
	[tilespmem:$0x1100] =	vst v63  }
.Ltmp0:
0x13: {  	_ =	swait.ge [sflag:s9], $0x1000;
	(pc) =	sbr.rel @!p0 .LBB2_2-.Ltmp0, $4  }
0x14: {  	[sflag:s9] =	ssyncset.done $0x0  }
0x15: {  	s10 =	sadd.s32 $0x1200, s10;
	[sflag:s9] =	ssyncadd.s32 $0xFFFFF000  }
0x16: {  	[hbm4b:s10+s2] =	stream.linear.scatter [tilespmem:s8], [sflag:$0x2], $0x1000, $0x38;
	[tilespmem:$0x1100] =	vst v63  }
0x17: {  	s11 =	sadd.s32 $0xFFFFFFFF, s11;
	_ =	swait.ge [sflag:s3], $0x1000  }
.LBB2_1:
0x18: {  	p0 =	sne.s32 s11, $0x1;
	s11 =	sadd.s32 $0xFFFFFFFF, s11;
	[sflag:s3] =	ssyncset.done $0x0  }
0x19: {  	[sflag:s3] =	ssyncadd.s32 $0xFFFFF000  }
0x1a: {  	[tilespmem:s2], [sflag:$0x2] =	stream.linear.gather [hbm4b:s4+s2], $0x20, $0x38;
	[tilespmem:$0x1100] =	vst v63  }
0x1b: {  	_ =	swait.ge [sflag:s3], $0x20  }
0x1c: {  	[sflag:s3] =	ssyncset.done $0x0  }
0x1d: {  	[sflag:s3] =	ssyncadd.s32 $0xFFFFFFE0  }
0x1e: {  	v0 =	vld [tilespmem:$0x0]  }
0x1f: {  	v1 =	vld [tilespmem:$0x10];
	_ =	sdelay $0x3  }
0x20: {  	v0 =	vshrl.u32 v0, $0x3  }
0x21: {  	[tilespmem:$0x80] =	vst v0;
	v0 =	vshrl.u32 v1, $0x3  }
0x22: {  	[tilespmem:$0x90] =	vst v0  }
0x23: {  	[tilespmem:s8], [sflag:$0x1] =	stream.indirect.gather [hbm4b:s5+s6], $0x80, s7, s6, $0xb8;
	[tilespmem:$0x1100] =	vst v63  }
.Ltmp1:
0x24: {  	_ =	swait.ge [sflag:s9], $0x1000;
	(pc) =	sbr.rel @p0 .LBB2_1-.Ltmp1, $4  }
0x25: {  	[sflag:s9] =	ssyncset.done $0x0  }
0x26: {  	[sflag:s9] =	ssyncadd.s32 $0xFFFFF000  }
0x27: {  	[hbm4b:s10+s2] =	stream.linear.scatter [tilespmem:s8], [sflag:$0x2], $0x1000, $0x38;
	[tilespmem:$0x1100] =	vst v63  }
0x28: {  	_ =	swait.ge [sflag:s3], $0x1000  }
.LBB2_2:
0x29: {  	[sflag:s3] =	ssyncset.done $0x0  }
0x2a: {  	[sflag:s3] =	ssyncadd.s32 $0xFFFFF000  }
0x2b: {  	_ =	sfence.sel $0x180000  }
0x2c: {  	[bflag:$0x0] =	sbarrier.arrive $0xFFFF  }
0x2d: {  	p0 =	sne.s32 s0, $0x0;
	_ =	strace $0x90000047  }
0x2e: {  	s0 =	sadd.s32 @!p0 $0x100000, s1;
	[bflag:$0x2] =	sbarrier.arrive $0xFFFF  }
0x2f: {  	[sflag:s0] =	ssyncadd.tile.s32 @!p0 $0x1;
	_ =	shalt  }
.Lfunc_end2:
_tile_overlayer_lowered:
.L_overlay_start_2:
0x30: {  	(tag) =	ssettag $0x2  }
0x31: {  	s0 =	rddreg [dreg:$0x0];
	s2 =	stileid.u32  }
0x32: {  	s1 =	rddreg [dreg:$0x1];
	p0 =	sne.s32 s2, $0x0  }
0x33: {  	s3 =	rddreg [dreg:$0x2];
	[bflag:$0x3] =	sbarrier.arrive $0xFFFF;
	s2 =	simm.s32 @!p0 $0x1C02  }
0x34: {  	[timem:s3], [sflag:s2] =	dma.local @!p0 [hbm:s0], s1  }
0x35: {  	s0 =	simm.s32 @!p0 $0x2  }
0x36: {  	_ =	swait.ge @!p0 [sflag:s0], s1  }
0x37: {  	s1 =	ssub.s32 @!p0 $0x0, s1;
	[sflag:s0] =	ssyncset.done @!p0 $0x0  }
0x38: {  	[sflag:s0] =	ssyncadd.s32 @!p0 s1  }
0x39: {  	[bflag:$0x3] =	sbarrier.arrive $0xFFFF  }
0x3a: {  	_ =	shalt  }

</sc_bundles>
